<compile_context>
chip_gen: v7x
topology: tpu7x:2x2x1
jax: 0.10.2.dev20260603
libtpu: 0.0.44.dev20260713+nightly
codegen_flags: <defaults>
</compile_context>

<pallas_src>
import functools

import jax
import jax.numpy as jnp
from jax import lax
from jax.experimental import pallas as pl
from jax.experimental.pallas import tpu as pltpu
from jax.experimental.pallas import tpu_sc as plsc

_EMBEDDING_DIM = 32
_NUM_EMBEDDINGS = 8192
_COMMITMENT_COST = 0.25

_ROWS = 8192
_ROW_BLOCK = 1024
_NUM_ROW_BLOCKS = _ROWS // _ROW_BLOCK

_SC_CORES = 2
_SC_SUBCORES = 16
_SC_LANES = 16
_SC_WORKERS = _SC_CORES * _SC_SUBCORES
_IDX_CHUNK = 128
_CHUNKS_PER_WORKER = _ROWS // (_SC_WORKERS * _IDX_CHUNK)


def _argmin_body(x_ref, e_ref, c_ref, s_ref, o_ref):
    x = x_ref[...]
    e = e_ref[...]
    dot = lax.dot_general(
        x, e, (((1,), (0,)), ((), ())),
        preferred_element_type=jnp.float32,
    )
    d = (c_ref[...] - 2.0 * dot) + s_ref[...]
    m = jnp.min(d, axis=1, keepdims=True)
    ji = lax.broadcasted_iota(jnp.int32, d.shape, 1)
    idx = jnp.min(jnp.where(d == m, ji, jnp.int32(2**31 - 1)), axis=1)
    o_ref[0, 0, :] = idx


def _argmin_indices(flat, embeddings, inputs_sqr, emb_sqr):
    out = pl.pallas_call(
        _argmin_body,
        grid=(_NUM_ROW_BLOCKS,),
        in_specs=[
            pl.BlockSpec((_ROW_BLOCK, _EMBEDDING_DIM), lambda i: (i, 0)),
            pl.BlockSpec((_EMBEDDING_DIM, _NUM_EMBEDDINGS), lambda i: (0, 0)),
            pl.BlockSpec((_ROW_BLOCK, 1), lambda i: (i, 0)),
            pl.BlockSpec((1, _NUM_EMBEDDINGS), lambda i: (0, 0)),
        ],
        out_specs=pl.BlockSpec((1, 1, _ROW_BLOCK), lambda i: (i, 0, 0)),
        out_shape=jax.ShapeDtypeStruct(
            (_NUM_ROW_BLOCKS, 1, _ROW_BLOCK), jnp.int32),
    )(flat, embeddings, inputs_sqr, emb_sqr)
    return out.reshape(_ROWS // _IDX_CHUNK, _IDX_CHUNK)


def _sc_body(idx_hbm, table_hbm, z_hbm, out_hbm, part_hbm,
             idx_v, rows_v, z_v, out_v, acc_v, gsem, zsem):
    wid = lax.axis_index("s") * _SC_CORES + lax.axis_index("c")
    base = wid * _CHUNKS_PER_WORKER
    pltpu.sync_copy(idx_hbm.at[pl.ds(base, _CHUNKS_PER_WORKER)], idx_v)
    copies = [pltpu.async_copy(z_hbm.at[pl.ds(base, _CHUNKS_PER_WORKER)],
                               z_v, zsem)]
    for j in range(_CHUNKS_PER_WORKER):
        copies.append(
            pltpu.async_copy(table_hbm.at[idx_v.at[j]], rows_v.at[j], gsem))
    for c in copies:
        c.wait()

    def row_step(r, acc):
        for j in range(_CHUNKS_PER_WORKER):
            for h in range(_EMBEDDING_DIM // _SC_LANES):
                sl = pl.ds(h * _SC_LANES, _SC_LANES)
                q = rows_v[j, r, sl]
                z = z_v[j, r, sl]
                diff = q - z
                out_v[j, r, sl] = z + diff
                acc = acc + diff * diff
        return acc

    acc = lax.fori_loop(
        0, _IDX_CHUNK, row_step, jnp.zeros((_SC_LANES,), jnp.float32))
    acc_v[...] = acc
    pltpu.sync_copy(out_v, out_hbm.at[pl.ds(base, _CHUNKS_PER_WORKER)])
    pltpu.sync_copy(acc_v, part_hbm.at[wid])


@functools.cache
def _sc_gather_epilogue():
    return pl.kernel(
        _sc_body,
        mesh=plsc.VectorSubcoreMesh(core_axis_name="c", subcore_axis_name="s"),
        out_type=(
            jax.ShapeDtypeStruct(
                (_ROWS // _IDX_CHUNK, _IDX_CHUNK, _EMBEDDING_DIM),
                jnp.float32),
            jax.ShapeDtypeStruct((_SC_WORKERS, _SC_LANES), jnp.float32),
        ),
        scratch_types=[
            pltpu.VMEM((_CHUNKS_PER_WORKER, _IDX_CHUNK), jnp.int32),
            pltpu.VMEM((_CHUNKS_PER_WORKER, _IDX_CHUNK, _EMBEDDING_DIM),
                       jnp.float32),
            pltpu.VMEM((_CHUNKS_PER_WORKER, _IDX_CHUNK, _EMBEDDING_DIM),
                       jnp.float32),
            pltpu.VMEM((_CHUNKS_PER_WORKER, _IDX_CHUNK, _EMBEDDING_DIM),
                       jnp.float32),
            pltpu.VMEM((_SC_LANES,), jnp.float32),
            pltpu.SemaphoreType.DMA,
            pltpu.SemaphoreType.DMA,
        ],
        compiler_params=pltpu.CompilerParams(use_tc_tiling_on_sc=False),
    )


def kernel(z_latents, embeddings):
    z_shape = z_latents.shape
    flat = z_latents.reshape(-1, _EMBEDDING_DIM)
    inputs_sqr = jnp.sum(flat**2, axis=1, keepdims=True)
    emb_sqr = jnp.sum(embeddings**2, axis=0, keepdims=True)
    idx = _argmin_indices(flat, embeddings, inputs_sqr, emb_sqr)
    table = embeddings.T
    z3d = flat.reshape(_ROWS // _IDX_CHUNK, _IDX_CHUNK, _EMBEDDING_DIM)
    out3d, partials = _sc_gather_epilogue()(idx, table, z3d)
    m = jnp.sum(partials) * (1.0 / float(_ROWS * _EMBEDDING_DIM))
    loss = m + _COMMITMENT_COST * m
    return out3d.reshape(z_shape), loss

# --- scband reference (transcript-rebuilt; emitter-appended) ---
"""Pipeline reference for scband-vector-quantizer-52012053954796 (READ-ONLY COPY).

The authoritative reference and input builder live on the scoring server;
editing this copy changes nothing except your own understanding.
"""

import jax, jax.numpy as jnp
import numpy as np

EMBEDDING_DIM = 32
NUM_EMBEDDINGS = 8192
COMMITMENT_COST = 0.25


def setup_inputs(seed: int = 0) -> dict:
    key = jax.random.key(seed)
    k1, k2 = jax.random.split(key)
    z_latents = jax.random.normal(k1, (8, 1024, EMBEDDING_DIM), dtype=jnp.float32)
    # VarianceScaling(distribution='uniform'), default scale=1.0, mode='fan_in'
    # embedding shape is [embedding_dim, num_embeddings]; fan_in = embedding_dim
    limit = np.sqrt(3.0 / EMBEDDING_DIM)
    embeddings = jax.random.uniform(
        k2, (EMBEDDING_DIM, NUM_EMBEDDINGS), dtype=jnp.float32,
        minval=-limit, maxval=limit)
    return {"z_latents": z_latents, "embeddings": embeddings}


def reference(z_latents, embeddings):
    z_shape = z_latents.shape
    flat = z_latents.reshape(-1, EMBEDDING_DIM)
    embedding_sqr = jnp.sum(embeddings ** 2, axis=0, keepdims=True)
    inputs_sqr = jnp.sum(flat ** 2, axis=1, keepdims=True)
    distances = inputs_sqr - 2.0 * (flat @ embeddings) + embedding_sqr
    encoding_indices = jnp.argmax(-distances, axis=1)
    encodings_one_hot = jax.nn.one_hot(encoding_indices, NUM_EMBEDDINGS, dtype=distances.dtype)
    reshaped_embeddings = embeddings.T
    quantized = encodings_one_hot @ reshaped_embeddings
    quantized = quantized.reshape(z_shape)
    commitment_loss = jnp.mean((jax.lax.stop_gradient(quantized) - z_latents) ** 2)
    embedding_loss = jnp.mean((jax.lax.stop_gradient(z_latents) - quantized) ** 2)
    vq_loss = embedding_loss + COMMITMENT_COST * commitment_loss
    quantized = z_latents + jax.lax.stop_gradient(quantized - z_latents)
    return (quantized, vq_loss)

if __name__ == "__main__":
    import jax
    _d = setup_inputs()
    print(jax.jit(kernel)(*tuple(_d.values())))

</pallas_src>

<mosaic_0001>
#map = affine_map<(d0, d1) -> (0, 0)>
#map1 = affine_map<(d0, d1) -> (0, 0, 0)>
module attributes {stable_mosaic.version = 14 : i64} {
  func.func @_sc_body(%arg0: i32, %arg1: i32, %arg2: memref<64x128xi32, #tpu.memory_space<hbm>>, %arg3: memref<8192x32xf32, #tpu.memory_space<hbm>>, %arg4: memref<64x128x32xf32, #tpu.memory_space<hbm>>, %arg5: memref<64x128x32xf32, #tpu.memory_space<hbm>>, %arg6: memref<32x16xf32, #tpu.memory_space<hbm>>, %arg7: memref<2x128xi32, #tpu.memory_space<vmem>>, %arg8: memref<2x128x32xf32, #tpu.memory_space<vmem>>, %arg9: memref<2x128x32xf32, #tpu.memory_space<vmem>>, %arg10: memref<2x128x32xf32, #tpu.memory_space<vmem>>, %arg11: memref<16xf32, #tpu.memory_space<vmem>>, %arg12: memref<!tpu.dma_semaphore, #tpu.memory_space<semaphore_mem>>, %arg13: memref<!tpu.dma_semaphore, #tpu.memory_space<semaphore_mem>>) attributes {dimension_semantics = [#tpu.dimension_semantics<core_parallel>, #tpu.dimension_semantics<subcore_parallel>], iteration_bounds = array<i64: 2, 16>, scalar_prefetch = 0 : i64, scratch_operands = 7 : i64, tpu.core_type = #tpu.core_type<sc_vector_subcore>, window_params = [{transform_indices = #map}, {transform_indices = #map}, {transform_indices = #map1}, {transform_indices = #map1}, {transform_indices = #map}]} {
    %mul3A = arith.constant 2 : i32
    %mul3A_0 = arith.muli %arg1, %mul3A : i32
    %add3A = arith.addi %mul3A_0, %arg0 : i32
    %mul3A_1 = arith.constant 2 : i32
    %mul3A_2 = arith.muli %add3A, %mul3A_1 : i32
    "tpu.region"() ({
      %run_scoped3A = tpu.sem_alloc : memref<!tpu.dma_semaphore, #tpu.memory_space<semaphore_mem>>
      %dma_start3A_70 = arith.constant 0 : i32
      %dma_start3A_71 = tpu.memref_slice %arg2[%mul3A_2, %dma_start3A_70] : memref<64x128xi32, #tpu.memory_space<hbm>> -> memref<2x128xi32, #tpu.memory_space<hbm>>
      %dma_start3A_72 = arith.constant 0 : i32
      %dma_start3A_73 = tpu.memref_slice %arg2[%mul3A_2, %dma_start3A_72] : memref<64x128xi32, #tpu.memory_space<hbm>> -> memref<2x128xi32, #tpu.memory_space<hbm>>
      tpu.enqueue_dma source(%dma_start3A_73 : memref<2x128xi32, #tpu.memory_space<hbm>>) target(%arg7 : memref<2x128xi32, #tpu.memory_space<vmem>>) target_semaphore(%run_scoped3A : memref<!tpu.dma_semaphore, #tpu.memory_space<semaphore_mem>>)
      %dma_wait3A_74 = arith.constant 0 : i32
      %dma_wait3A_75 = tpu.memref_slice %arg2[%mul3A_2, %dma_wait3A_74] : memref<64x128xi32, #tpu.memory_space<hbm>> -> memref<2x128xi32, #tpu.memory_space<hbm>>
      %dma_wait3A_76 = arith.constant 0 : i32
      %dma_wait3A_77 = tpu.memref_slice %arg2[%mul3A_2, %dma_wait3A_76] : memref<64x128xi32, #tpu.memory_space<hbm>> -> memref<2x128xi32, #tpu.memory_space<hbm>>
      tpu.wait_dma2 semaphore(%run_scoped3A : memref<!tpu.dma_semaphore, #tpu.memory_space<semaphore_mem>>) src(%dma_wait3A_77 : memref<2x128xi32, #tpu.memory_space<hbm>>) dst(%arg7 : memref<2x128xi32, #tpu.memory_space<vmem>>)
      tpu.yield
    }) : () -> ()
    %dma_start3A = arith.constant 0 : i32
    %dma_start3A_3 = arith.constant 0 : i32
    %dma_start3A_4 = tpu.memref_slice %arg4[%mul3A_2, %dma_start3A, %dma_start3A_3] : memref<64x128x32xf32, #tpu.memory_space<hbm>> -> memref<2x128x32xf32, #tpu.memory_space<hbm>>
    %dma_start3A_5 = arith.constant 0 : i32
    %dma_start3A_6 = arith.constant 0 : i32
    %dma_start3A_7 = tpu.memref_slice %arg4[%mul3A_2, %dma_start3A_5, %dma_start3A_6] : memref<64x128x32xf32, #tpu.memory_space<hbm>> -> memref<2x128x32xf32, #tpu.memory_space<hbm>>
    tpu.enqueue_dma source(%dma_start3A_7 : memref<2x128x32xf32, #tpu.memory_space<hbm>>) target(%arg9 : memref<2x128x32xf32, #tpu.memory_space<vmem>>) target_semaphore(%arg13 : memref<!tpu.dma_semaphore, #tpu.memory_space<semaphore_mem>>)
    %dma_start3A_8 = arith.constant 0 : i32
    %dma_start3A_9 = arith.constant 0 : i32
    %dma_start3A_10 = arith.constant 0 : i32
    %dma_start3A_11 = arith.constant 0 : i32
    %dma_start3A_12 = tpu.memref_slice %arg8[%dma_start3A_9, %dma_start3A_10, %dma_start3A_11] : memref<2x128x32xf32, #tpu.memory_space<vmem>> -> memref<1x128x32xf32, #tpu.memory_space<vmem>>
    %dma_start3A_13 = tpu.memref_squeeze %dma_start3A_12 : memref<1x128x32xf32, #tpu.memory_space<vmem>> -> memref<128x32xf32, #tpu.memory_space<vmem>>
    %dma_start3A_14 = arith.constant 0 : i32
    %dma_start3A_15 = tpu.memref_slice %arg7[%dma_start3A_8, %dma_start3A_14] : memref<2x128xi32, #tpu.memory_space<vmem>> -> memref<1x128xi32, #tpu.memory_space<vmem>>
    %dma_start3A_16 = tpu.memref_squeeze %dma_start3A_15 : memref<1x128xi32, #tpu.memory_space<vmem>> -> memref<128xi32, #tpu.memory_space<vmem>>
    %dma_start3A_17 = arith.constant 0 : i32
    %dma_start3A_18 = arith.constant 0 : i32
    %dma_start3A_19 = tpu.memref_slice %arg3[%dma_start3A_17, %dma_start3A_18] : memref<8192x32xf32, #tpu.memory_space<hbm>> -> memref<8192x32xf32, #tpu.memory_space<hbm>>
    tpu.enqueue_indirect_dma source(%dma_start3A_19 : memref<8192x32xf32, #tpu.memory_space<hbm>>) target(%dma_start3A_13 : memref<128x32xf32, #tpu.memory_space<vmem>>) offsets(%dma_start3A_16 : memref<128xi32, #tpu.memory_space<vmem>>) semaphore(%arg12 : memref<!tpu.dma_semaphore, #tpu.memory_space<semaphore_mem>>)
    %dma_start3A_20 = arith.constant 1 : i32
    %dma_start3A_21 = arith.constant 1 : i32
    %dma_start3A_22 = arith.constant 0 : i32
    %dma_start3A_23 = arith.constant 0 : i32
    %dma_start3A_24 = tpu.memref_slice %arg8[%dma_start3A_21, %dma_start3A_22, %dma_start3A_23] : memref<2x128x32xf32, #tpu.memory_space<vmem>> -> memref<1x128x32xf32, #tpu.memory_space<vmem>>
    %dma_start3A_25 = tpu.memref_squeeze %dma_start3A_24 : memref<1x128x32xf32, #tpu.memory_space<vmem>> -> memref<128x32xf32, #tpu.memory_space<vmem>>
    %dma_start3A_26 = arith.constant 0 : i32
    %dma_start3A_27 = tpu.memref_slice %arg7[%dma_start3A_20, %dma_start3A_26] : memref<2x128xi32, #tpu.memory_space<vmem>> -> memref<1x128xi32, #tpu.memory_space<vmem>>
    %dma_start3A_28 = tpu.memref_squeeze %dma_start3A_27 : memref<1x128xi32, #tpu.memory_space<vmem>> -> memref<128xi32, #tpu.memory_space<vmem>>
    %dma_start3A_29 = arith.constant 0 : i32
    %dma_start3A_30 = arith.constant 0 : i32
    %dma_start3A_31 = tpu.memref_slice %arg3[%dma_start3A_29, %dma_start3A_30] : memref<8192x32xf32, #tpu.memory_space<hbm>> -> memref<8192x32xf32, #tpu.memory_space<hbm>>
    tpu.enqueue_indirect_dma source(%dma_start3A_31 : memref<8192x32xf32, #tpu.memory_space<hbm>>) target(%dma_start3A_25 : memref<128x32xf32, #tpu.memory_space<vmem>>) offsets(%dma_start3A_28 : memref<128xi32, #tpu.memory_space<vmem>>) semaphore(%arg12 : memref<!tpu.dma_semaphore, #tpu.memory_space<semaphore_mem>>)
    %dma_wait3A = arith.constant 0 : i32
    %dma_wait3A_32 = arith.constant 0 : i32
    %dma_wait3A_33 = tpu.memref_slice %arg4[%mul3A_2, %dma_wait3A, %dma_wait3A_32] : memref<64x128x32xf32, #tpu.memory_space<hbm>> -> memref<2x128x32xf32, #tpu.memory_space<hbm>>
    %dma_wait3A_34 = arith.constant 0 : i32
    %dma_wait3A_35 = arith.constant 0 : i32
    %dma_wait3A_36 = tpu.memref_slice %arg4[%mul3A_2, %dma_wait3A_34, %dma_wait3A_35] : memref<64x128x32xf32, #tpu.memory_space<hbm>> -> memref<2x128x32xf32, #tpu.memory_space<hbm>>
    tpu.wait_dma2 semaphore(%arg13 : memref<!tpu.dma_semaphore, #tpu.memory_space<semaphore_mem>>) src(%dma_wait3A_36 : memref<2x128x32xf32, #tpu.memory_space<hbm>>) dst(%arg9 : memref<2x128x32xf32, #tpu.memory_space<vmem>>)
    %dma_wait3A_37 = arith.constant 0 : i32
    %dma_wait3A_38 = arith.constant 0 : i32
    %dma_wait3A_39 = arith.constant 0 : i32
    %dma_wait3A_40 = arith.constant 0 : i32
    %dma_wait3A_41 = tpu.memref_slice %arg8[%dma_wait3A_38, %dma_wait3A_39, %dma_wait3A_40] : memref<2x128x32xf32, #tpu.memory_space<vmem>> -> memref<1x128x32xf32, #tpu.memory_space<vmem>>
    %dma_wait3A_42 = tpu.memref_squeeze %dma_wait3A_41 : memref<1x128x32xf32, #tpu.memory_space<vmem>> -> memref<128x32xf32, #tpu.memory_space<vmem>>
    %dma_wait3A_43 = arith.constant 0 : i32
    %dma_wait3A_44 = tpu.memref_slice %arg7[%dma_wait3A_37, %dma_wait3A_43] : memref<2x128xi32, #tpu.memory_space<vmem>> -> memref<1x128xi32, #tpu.memory_space<vmem>>
    %dma_wait3A_45 = tpu.memref_squeeze %dma_wait3A_44 : memref<1x128xi32, #tpu.memory_space<vmem>> -> memref<128xi32, #tpu.memory_space<vmem>>
    %dma_wait3A_46 = arith.constant 0 : i32
    %dma_wait3A_47 = arith.constant 0 : i32
    %dma_wait3A_48 = tpu.memref_slice %arg3[%dma_wait3A_46, %dma_wait3A_47] : memref<8192x32xf32, #tpu.memory_space<hbm>> -> memref<8192x32xf32, #tpu.memory_space<hbm>>
    tpu.wait_indirect_dma semaphore(%arg12 : memref<!tpu.dma_semaphore, #tpu.memory_space<semaphore_mem>>) src(%dma_wait3A_48 : memref<8192x32xf32, #tpu.memory_space<hbm>>) dst(%dma_wait3A_42 : memref<128x32xf32, #tpu.memory_space<vmem>>)
    %dma_wait3A_49 = arith.constant 1 : i32
    %dma_wait3A_50 = arith.constant 1 : i32
    %dma_wait3A_51 = arith.constant 0 : i32
    %dma_wait3A_52 = arith.constant 0 : i32
    %dma_wait3A_53 = tpu.memref_slice %arg8[%dma_wait3A_50, %dma_wait3A_51, %dma_wait3A_52] : memref<2x128x32xf32, #tpu.memory_space<vmem>> -> memref<1x128x32xf32, #tpu.memory_space<vmem>>
    %dma_wait3A_54 = tpu.memref_squeeze %dma_wait3A_53 : memref<1x128x32xf32, #tpu.memory_space<vmem>> -> memref<128x32xf32, #tpu.memory_space<vmem>>
    %dma_wait3A_55 = arith.constant 0 : i32
    %dma_wait3A_56 = tpu.memref_slice %arg7[%dma_wait3A_49, %dma_wait3A_55] : memref<2x128xi32, #tpu.memory_space<vmem>> -> memref<1x128xi32, #tpu.memory_space<vmem>>
    %dma_wait3A_57 = tpu.memref_squeeze %dma_wait3A_56 : memref<1x128xi32, #tpu.memory_space<vmem>> -> memref<128xi32, #tpu.memory_space<vmem>>
    %dma_wait3A_58 = arith.constant 0 : i32
    %dma_wait3A_59 = arith.constant 0 : i32
    %dma_wait3A_60 = tpu.memref_slice %arg3[%dma_wait3A_58, %dma_wait3A_59] : memref<8192x32xf32, #tpu.memory_space<hbm>> -> memref<8192x32xf32, #tpu.memory_space<hbm>>
    tpu.wait_indirect_dma semaphore(%arg12 : memref<!tpu.dma_semaphore, #tpu.memory_space<semaphore_mem>>) src(%dma_wait3A_60 : memref<8192x32xf32, #tpu.memory_space<hbm>>) dst(%dma_wait3A_54 : memref<128x32xf32, #tpu.memory_space<vmem>>)
    %broadcast_in_dim3A = arith.constant 0.000000e+00 : f32
    %broadcast_in_dim3A_61 = vector.broadcast %broadcast_in_dim3A : f32 to vector<16xf32>
    %scan3A = arith.constant 0 : i32
    %scan3A_62 = arith.constant 128 : i32
    %scan3A_63 = arith.addi %scan3A, %scan3A_62 : i32
    %scan3A_64 = arith.constant 1 : i32
    %scan3A_65 = scf.for %scan3A_70 = %scan3A to %scan3A_63 step %scan3A_64 iter_args(%scan3A_71 = %broadcast_in_dim3A_61) -> (vector<16xf32>)  : i32 {
      %get3A = arith.constant 0 : i32
      %get3A_72 = arith.index_cast %get3A : i32 to index
      %get3A_73 = arith.index_cast %scan3A_70 : i32 to index
      %get3A_74 = arith.constant 0 : index
      %get3A_75 = tpu.vector_load %arg8[%get3A_72, %get3A_73, %get3A_74] {strides = array<i32>} : memref<2x128x32xf32, #tpu.memory_space<vmem>>, vector<1x1x16xf32>,
      %get3A_76 = vector.shape_cast %get3A_75 : vector<1x1x16xf32> to vector<16xf32>
      %get3A_77 = arith.constant 0 : i32
      %get3A_78 = arith.index_cast %get3A_77 : i32 to index
      %get3A_79 = arith.index_cast %scan3A_70 : i32 to index
      %get3A_80 = arith.constant 0 : index
      %get3A_81 = tpu.vector_load %arg9[%get3A_78, %get3A_79, %get3A_80] {strides = array<i32>} : memref<2x128x32xf32, #tpu.memory_space<vmem>>, vector<1x1x16xf32>,
      %get3A_82 = vector.shape_cast %get3A_81 : vector<1x1x16xf32> to vector<16xf32>
      %sub3A = arith.subf %get3A_76, %get3A_82 : vector<16xf32>
      %add3A_83 = arith.addf %get3A_82, %sub3A : vector<16xf32>
      %swap3A_84 = arith.constant 0 : i32
      %swap3A_85 = arith.index_cast %swap3A_84 : i32 to index
      %swap3A_86 = arith.index_cast %scan3A_70 : i32 to index
      %swap3A_87 = arith.constant 0 : index
      %swap3A_88 = tpu.vector_load %arg10[%swap3A_85, %swap3A_86, %swap3A_87] {strides = array<i32>} : memref<2x128x32xf32, #tpu.memory_space<vmem>>, vector<1x1x16xf32>,
      %swap3A_89 = vector.shape_cast %swap3A_88 : vector<1x1x16xf32> to vector<16xf32>
      %swap3A_90 = vector.shape_cast %add3A_83 : vector<16xf32> to vector<1x1x16xf32>
      tpu.vector_store %arg10[%swap3A_85, %swap3A_86, %swap3A_87], %swap3A_90 {strides = array<i32>} : memref<2x128x32xf32, #tpu.memory_space<vmem>>, vector<1x1x16xf32>,
      %mul3A_91 = arith.mulf %sub3A, %sub3A : vector<16xf32>
      %add3A_92 = arith.addf %scan3A_71, %mul3A_91 : vector<16xf32>
      %get3A_93 = arith.constant 0 : i32
      %get3A_94 = arith.index_cast %get3A_93 : i32 to index
      %get3A_95 = arith.index_cast %scan3A_70 : i32 to index
      %get3A_96 = arith.constant 16 : index
      %get3A_97 = tpu.vector_load %arg8[%get3A_94, %get3A_95, %get3A_96] {strides = array<i32>} : memref<2x128x32xf32, #tpu.memory_space<vmem>>, vector<1x1x16xf32>,
      %get3A_98 = vector.shape_cast %get3A_97 : vector<1x1x16xf32> to vector<16xf32>
      %get3A_99 = arith.constant 0 : i32
      %get3A_100 = arith.index_cast %get3A_99 : i32 to index
      %get3A_101 = arith.index_cast %scan3A_70 : i32 to index
      %get3A_102 = arith.constant 16 : index
      %get3A_103 = tpu.vector_load %arg9[%get3A_100, %get3A_101, %get3A_102] {strides = array<i32>} : memref<2x128x32xf32, #tpu.memory_space<vmem>>, vector<1x1x16xf32>,
      %get3A_104 = vector.shape_cast %get3A_103 : vector<1x1x16xf32> to vector<16xf32>
      %sub3A_105 = arith.subf %get3A_98, %get3A_104 : vector<16xf32>
      %add3A_106 = arith.addf %get3A_104, %sub3A_105 : vector<16xf32>
      %swap3A_107 = arith.constant 0 : i32
      %swap3A_108 = arith.index_cast %swap3A_107 : i32 to index
      %swap3A_109 = arith.index_cast %scan3A_70 : i32 to index
      %swap3A_110 = arith.constant 16 : index
      %swap3A_111 = tpu.vector_load %arg10[%swap3A_108, %swap3A_109, %swap3A_110] {strides = array<i32>} : memref<2x128x32xf32, #tpu.memory_space<vmem>>, vector<1x1x16xf32>,
      %swap3A_112 = vector.shape_cast %swap3A_111 : vector<1x1x16xf32> to vector<16xf32>
      %swap3A_113 = vector.shape_cast %add3A_106 : vector<16xf32> to vector<1x1x16xf32>
      tpu.vector_store %arg10[%swap3A_108, %swap3A_109, %swap3A_110], %swap3A_113 {strides = array<i32>} : memref<2x128x32xf32, #tpu.memory_space<vmem>>, vector<1x1x16xf32>,
      %mul3A_114 = arith.mulf %sub3A_105, %sub3A_105 : vector<16xf32>
      %add3A_115 = arith.addf %add3A_92, %mul3A_114 : vector<16xf32>
      %get3A_116 = arith.constant 1 : i32
      %get3A_117 = arith.index_cast %get3A_116 : i32 to index
      %get3A_118 = arith.index_cast %scan3A_70 : i32 to index
      %get3A_119 = arith.constant 0 : index
      %get3A_120 = tpu.vector_load %arg8[%get3A_117, %get3A_118, %get3A_119] {strides = array<i32>} : memref<2x128x32xf32, #tpu.memory_space<vmem>>, vector<1x1x16xf32>,
      %get3A_121 = vector.shape_cast %get3A_120 : vector<1x1x16xf32> to vector<16xf32>
      %get3A_122 = arith.constant 1 : i32
      %get3A_123 = arith.index_cast %get3A_122 : i32 to index
      %get3A_124 = arith.index_cast %scan3A_70 : i32 to index
      %get3A_125 = arith.constant 0 : index
      %get3A_126 = tpu.vector_load %arg9[%get3A_123, %get3A_124, %get3A_125] {strides = array<i32>} : memref<2x128x32xf32, #tpu.memory_space<vmem>>, vector<1x1x16xf32>,
      %get3A_127 = vector.shape_cast %get3A_126 : vector<1x1x16xf32> to vector<16xf32>
      %sub3A_128 = arith.subf %get3A_121, %get3A_127 : vector<16xf32>
      %add3A_129 = arith.addf %get3A_127, %sub3A_128 : vector<16xf32>
      %swap3A_130 = arith.constant 1 : i32
      %swap3A_131 = arith.index_cast %swap3A_130 : i32 to index
      %swap3A_132 = arith.index_cast %scan3A_70 : i32 to index
      %swap3A_133 = arith.constant 0 : index
      %swap3A_134 = tpu.vector_load %arg10[%swap3A_131, %swap3A_132, %swap3A_133] {strides = array<i32>} : memref<2x128x32xf32, #tpu.memory_space<vmem>>, vector<1x1x16xf32>,
      %swap3A_135 = vector.shape_cast %swap3A_134 : vector<1x1x16xf32> to vector<16xf32>
      %swap3A_136 = vector.shape_cast %add3A_129 : vector<16xf32> to vector<1x1x16xf32>
      tpu.vector_store %arg10[%swap3A_131, %swap3A_132, %swap3A_133], %swap3A_136 {strides = array<i32>} : memref<2x128x32xf32, #tpu.memory_space<vmem>>, vector<1x1x16xf32>,
      %mul3A_137 = arith.mulf %sub3A_128, %sub3A_128 : vector<16xf32>
      %add3A_138 = arith.addf %add3A_115, %mul3A_137 : vector<16xf32>
      %get3A_139 = arith.constant 1 : i32
      %get3A_140 = arith.index_cast %get3A_139 : i32 to index
      %get3A_141 = arith.index_cast %scan3A_70 : i32 to index
      %get3A_142 = arith.constant 16 : index
      %get3A_143 = tpu.vector_load %arg8[%get3A_140, %get3A_141, %get3A_142] {strides = array<i32>} : memref<2x128x32xf32, #tpu.memory_space<vmem>>, vector<1x1x16xf32>,
      %get3A_144 = vector.shape_cast %get3A_143 : vector<1x1x16xf32> to vector<16xf32>
      %get3A_145 = arith.constant 1 : i32
      %get3A_146 = arith.index_cast %get3A_145 : i32 to index
      %get3A_147 = arith.index_cast %scan3A_70 : i32 to index
      %get3A_148 = arith.constant 16 : index
      %get3A_149 = tpu.vector_load %arg9[%get3A_146, %get3A_147, %get3A_148] {strides = array<i32>} : memref<2x128x32xf32, #tpu.memory_space<vmem>>, vector<1x1x16xf32>,
      %get3A_150 = vector.shape_cast %get3A_149 : vector<1x1x16xf32> to vector<16xf32>
      %sub3A_151 = arith.subf %get3A_144, %get3A_150 : vector<16xf32>
      %add3A_152 = arith.addf %get3A_150, %sub3A_151 : vector<16xf32>
      %swap3A_153 = arith.constant 1 : i32
      %swap3A_154 = arith.index_cast %swap3A_153 : i32 to index
      %swap3A_155 = arith.index_cast %scan3A_70 : i32 to index
      %swap3A_156 = arith.constant 16 : index
      %swap3A_157 = tpu.vector_load %arg10[%swap3A_154, %swap3A_155, %swap3A_156] {strides = array<i32>} : memref<2x128x32xf32, #tpu.memory_space<vmem>>, vector<1x1x16xf32>,
      %swap3A_158 = vector.shape_cast %swap3A_157 : vector<1x1x16xf32> to vector<16xf32>
      %swap3A_159 = vector.shape_cast %add3A_152 : vector<16xf32> to vector<1x1x16xf32>
      tpu.vector_store %arg10[%swap3A_154, %swap3A_155, %swap3A_156], %swap3A_159 {strides = array<i32>} : memref<2x128x32xf32, #tpu.memory_space<vmem>>, vector<1x1x16xf32>,
      %mul3A_160 = arith.mulf %sub3A_151, %sub3A_151 : vector<16xf32>
      %add3A_161 = arith.addf %add3A_138, %mul3A_160 : vector<16xf32>
      scf.yield %add3A_161 : vector<16xf32>
    }
    %scan3A_66 = arith.constant 128 : i32
    %swap3A = arith.constant 0 : index
    %swap3A_67 = tpu.vector_load %arg11[%swap3A] {strides = array<i32>} : memref<16xf32, #tpu.memory_space<vmem>>, vector<16xf32>,
    %swap3A_68 = vector.shape_cast %swap3A_67 : vector<16xf32> to vector<16xf32>
    %swap3A_69 = vector.shape_cast %scan3A_65 : vector<16xf32> to vector<16xf32>
    tpu.vector_store %arg11[%swap3A], %swap3A_69 {strides = array<i32>} : memref<16xf32, #tpu.memory_space<vmem>>, vector<16xf32>,
    "tpu.region"() ({
      %run_scoped3A = tpu.sem_alloc : memref<!tpu.dma_semaphore, #tpu.memory_space<semaphore_mem>>
      %dma_start3A_70 = arith.constant 0 : i32
      %dma_start3A_71 = arith.constant 0 : i32
      %dma_start3A_72 = tpu.memref_slice %arg5[%mul3A_2, %dma_start3A_70, %dma_start3A_71] : memref<64x128x32xf32, #tpu.memory_space<hbm>> -> memref<2x128x32xf32, #tpu.memory_space<hbm>>
      %dma_start3A_73 = arith.constant 0 : i32
      %dma_start3A_74 = arith.constant 0 : i32
      %dma_start3A_75 = tpu.memref_slice %arg5[%mul3A_2, %dma_start3A_73, %dma_start3A_74] : memref<64x128x32xf32, #tpu.memory_space<hbm>> -> memref<2x128x32xf32, #tpu.memory_space<hbm>>
      tpu.enqueue_dma source(%arg10 : memref<2x128x32xf32, #tpu.memory_space<vmem>>) target(%dma_start3A_75 : memref<2x128x32xf32, #tpu.memory_space<hbm>>) target_semaphore(%run_scoped3A : memref<!tpu.dma_semaphore, #tpu.memory_space<semaphore_mem>>)
      %dma_wait3A_76 = arith.constant 0 : i32
      %dma_wait3A_77 = arith.constant 0 : i32
      %dma_wait3A_78 = tpu.memref_slice %arg5[%mul3A_2, %dma_wait3A_76, %dma_wait3A_77] : memref<64x128x32xf32, #tpu.memory_space<hbm>> -> memref<2x128x32xf32, #tpu.memory_space<hbm>>
      %dma_wait3A_79 = arith.constant 0 : i32
      %dma_wait3A_80 = arith.constant 0 : i32
      %dma_wait3A_81 = tpu.memref_slice %arg5[%mul3A_2, %dma_wait3A_79, %dma_wait3A_80] : memref<64x128x32xf32, #tpu.memory_space<hbm>> -> memref<2x128x32xf32, #tpu.memory_space<hbm>>
      tpu.wait_dma2 semaphore(%run_scoped3A : memref<!tpu.dma_semaphore, #tpu.memory_space<semaphore_mem>>) src(%arg10 : memref<2x128x32xf32, #tpu.memory_space<vmem>>) dst(%dma_wait3A_81 : memref<2x128x32xf32, #tpu.memory_space<hbm>>)
      tpu.yield
    }) : () -> ()
    "tpu.region"() ({
      %run_scoped3A = tpu.sem_alloc : memref<!tpu.dma_semaphore, #tpu.memory_space<semaphore_mem>>
      %dma_start3A_70 = arith.constant 0 : i32
      %dma_start3A_71 = tpu.memref_slice %arg6[%add3A, %dma_start3A_70] : memref<32x16xf32, #tpu.memory_space<hbm>> -> memref<1x16xf32, #tpu.memory_space<hbm>>
      %dma_start3A_72 = tpu.memref_squeeze %dma_start3A_71 : memref<1x16xf32, #tpu.memory_space<hbm>> -> memref<16xf32, #tpu.memory_space<hbm>>
      %dma_start3A_73 = arith.constant 0 : i32
      %dma_start3A_74 = tpu.memref_slice %arg6[%add3A, %dma_start3A_73] : memref<32x16xf32, #tpu.memory_space<hbm>> -> memref<1x16xf32, #tpu.memory_space<hbm>>
      %dma_start3A_75 = tpu.memref_squeeze %dma_start3A_74 : memref<1x16xf32, #tpu.memory_space<hbm>> -> memref<16xf32, #tpu.memory_space<hbm>>
      tpu.enqueue_dma source(%arg11 : memref<16xf32, #tpu.memory_space<vmem>>) target(%dma_start3A_75 : memref<16xf32, #tpu.memory_space<hbm>>) target_semaphore(%run_scoped3A : memref<!tpu.dma_semaphore, #tpu.memory_space<semaphore_mem>>)
      %dma_wait3A_76 = arith.constant 0 : i32
      %dma_wait3A_77 = tpu.memref_slice %arg6[%add3A, %dma_wait3A_76] : memref<32x16xf32, #tpu.memory_space<hbm>> -> memref<1x16xf32, #tpu.memory_space<hbm>>
      %dma_wait3A_78 = tpu.memref_squeeze %dma_wait3A_77 : memref<1x16xf32, #tpu.memory_space<hbm>> -> memref<16xf32, #tpu.memory_space<hbm>>
      %dma_wait3A_79 = arith.constant 0 : i32
      %dma_wait3A_80 = tpu.memref_slice %arg6[%add3A, %dma_wait3A_79] : memref<32x16xf32, #tpu.memory_space<hbm>> -> memref<1x16xf32, #tpu.memory_space<hbm>>
      %dma_wait3A_81 = tpu.memref_squeeze %dma_wait3A_80 : memref<1x16xf32, #tpu.memory_space<hbm>> -> memref<16xf32, #tpu.memory_space<hbm>>
      tpu.wait_dma2 semaphore(%run_scoped3A : memref<!tpu.dma_semaphore, #tpu.memory_space<semaphore_mem>>) src(%arg11 : memref<16xf32, #tpu.memory_space<vmem>>) dst(%dma_wait3A_81 : memref<16xf32, #tpu.memory_space<hbm>>)
      tpu.yield
    }) : () -> ()
    return
  }
}

module attributes {stable_mosaic.version = 14 : i64} {
  func.func @_argmin_body(%arg0: i32, %arg1: memref<1024x32xf32, #tpu.memory_space<vmem>>, %arg2: memref<32x8192xf32, #tpu.memory_space<vmem>>, %arg3: memref<1024x1xf32, #tpu.memory_space<vmem>>, %arg4: memref<1x8192xf32, #tpu.memory_space<vmem>>, %arg5: memref<1x1x1024xi32, #tpu.memory_space<vmem>>) attributes {dimension_semantics = [#tpu.dimension_semantics<arbitrary>], iteration_bounds = array<i64: 8>, scalar_prefetch = 0 : i64, scratch_operands = 0 : i64, tpu.core_type = #tpu.core_type<tc>, window_params = [{transform_indices = @transform_0, window_bounds = array<i64: 1024, 32>}, {pipeline_mode = #tpu.pipeline_mode<synchronous>, transform_indices = @transform_1, window_bounds = array<i64: 32, 8192>}, {transform_indices = @transform_2, window_bounds = array<i64: 1024, 1>}, {pipeline_mode = #tpu.pipeline_mode<synchronous>, transform_indices = @transform_3, window_bounds = array<i64: 1, 8192>}, {transform_indices = @transform_4, window_bounds = array<i64: 1, 1, 1024>}]} {
    %get3A = arith.constant 0 : index
    %get3A_0 = arith.constant 0 : index
    %get3A_1 = vector.load %arg1[%get3A, %get3A_0] : memref<1024x32xf32, #tpu.memory_space<vmem>>, vector<1024x32xf32>
    %get3A_2 = arith.constant 0 : index
    %get3A_3 = arith.constant 0 : index
    %get3A_4 = vector.load %arg2[%get3A_2, %get3A_3] : memref<32x8192xf32, #tpu.memory_space<vmem>>, vector<32x8192xf32>
    %dot_general3A = arith.constant dense<0.000000e+00> : vector<1024x8192xf32>
    %dot_general3A_5 = tpu.matmul %get3A_1, %get3A_4, %dot_general3A {dimension_numbers = #tpu.dot_dimension_numbers<[1], [0], [0], [1], [0, 0, 1, 1], [], []>, transpose_lhs_hint = false} : vector<1024x32xf32>, vector<32x8192xf32>, vector<1024x8192xf32> -> vector<1024x8192xf32>
    %get3A_6 = arith.constant 0 : index
    %get3A_7 = arith.constant 0 : index
    %get3A_8 = vector.load %arg3[%get3A_6, %get3A_7] : memref<1024x1xf32, #tpu.memory_space<vmem>>, vector<1024x1xf32>
    %mul3A = arith.constant 2.000000e+00 : f32
    %mul3A_9 = vector.broadcast %mul3A : f32 to vector<1024x8192xf32>
    %mul3A_10 = arith.mulf %mul3A_9, %dot_general3A_5 : vector<1024x8192xf32>
    %sub3A = vector.broadcast %get3A_8 : vector<1024x1xf32> to vector<1024x8192xf32>
    %sub3A_11 = arith.subf %sub3A, %mul3A_10 : vector<1024x8192xf32>
    %get3A_12 = arith.constant 0 : index
    %get3A_13 = arith.constant 0 : index
    %get3A_14 = vector.load %arg4[%get3A_12, %get3A_13] : memref<1x8192xf32, #tpu.memory_space<vmem>>, vector<1x8192xf32>
    %add3A = vector.broadcast %get3A_14 : vector<1x8192xf32> to vector<1024x8192xf32>
    %add3A_15 = arith.addf %sub3A_11, %add3A : vector<1024x8192xf32>
    %reduce_min3A = arith.constant dense<0x7F800000> : vector<1024xf32>
    %reduce_min3A_16 = vector.multi_reduction <minimumf>, %add3A_15, %reduce_min3A [1] : vector<1024x8192xf32> to vector<1024xf32>
    %broadcast_in_dim3A = vector.shape_cast %reduce_min3A_16 : vector<1024xf32> to vector<1024x1xf32>
    %iota3A = tpu.iota {dimensions = array<i32: 1>} : vector<1024x8192xi32>
    %eq3A = vector.broadcast %broadcast_in_dim3A : vector<1024x1xf32> to vector<1024x8192xf32>
    %eq3A_17 = arith.cmpf oeq, %add3A_15, %eq3A : vector<1024x8192xf32>
    %jit3A = arith.constant 2147483647 : i32
    %broadcast_in_dim3A_18 = vector.broadcast %jit3A : i32 to vector<1024x8192xi32>
    %select_n3A = arith.select %eq3A_17, %iota3A, %broadcast_in_dim3A_18 : vector<1024x8192xi1>, vector<1024x8192xi32>
    %reduce_min3A_19 = arith.constant dense<2147483647> : vector<1024xi32>
    %reduce_min3A_20 = vector.multi_reduction <minsi>, %select_n3A, %reduce_min3A_19 [1] : vector<1024x8192xi32> to vector<1024xi32>
    %swap3A = arith.constant 0 : index
    %swap3A_21 = arith.constant 0 : index
    %swap3A_22 = arith.constant 0 : index
    %swap3A_23 = vector.load %arg5[%swap3A, %swap3A_21, %swap3A_22] : memref<1x1x1024xi32, #tpu.memory_space<vmem>>, vector<1x1x1024xi32>
    %swap3A_24 = vector.shape_cast %swap3A_23 : vector<1x1x1024xi32> to vector<1024xi32>
    %swap3A_25 = vector.shape_cast %reduce_min3A_20 : vector<1024xi32> to vector<1x1x1024xi32>
    tpu.vector_store %arg5[%swap3A, %swap3A_21, %swap3A_22], %swap3A_25 {strides = array<i32>} : memref<1x1x1024xi32, #tpu.memory_space<vmem>>, vector<1x1x1024xi32>,
    return
  }
  func.func @transform_0(%arg0: i32) -> (i32, i32) {
    %c0_i32 = arith.constant 0 : i32
    %c0_i32_0 = arith.constant 0 : i32
    return %arg0, %c0_i32 : i32, i32
  }
  func.func @transform_1(%arg0: i32) -> (i32, i32) {
    %c0_i32 = arith.constant 0 : i32
    %c0_i32_0 = arith.constant 0 : i32
    %c0_i32_1 = arith.constant 0 : i32
    return %c0_i32, %c0_i32_0 : i32, i32
  }
  func.func @transform_2(%arg0: i32) -> (i32, i32) {
    %c0_i32 = arith.constant 0 : i32
    %c0_i32_0 = arith.constant 0 : i32
    return %arg0, %c0_i32 : i32, i32
  }
  func.func @transform_3(%arg0: i32) -> (i32, i32) {
    %c0_i32 = arith.constant 0 : i32
    %c0_i32_0 = arith.constant 0 : i32
    %c0_i32_1 = arith.constant 0 : i32
    return %c0_i32, %c0_i32_0 : i32, i32
  }
  func.func @transform_4(%arg0: i32) -> (i32, i32, i32) {
    %c0_i32 = arith.constant 0 : i32
    %c0_i32_0 = arith.constant 0 : i32
    %c0_i32_1 = arith.constant 0 : i32
    return %arg0, %c0_i32, %c0_i32_0 : i32, i32, i32
  }
}

</mosaic_0001>

<sc_bundles>
// kernel: kernel.4.cloned.1.call-start
scs
__scs_entry_jumppad:
0x0: {  	(pc) =	sbr.rel $0x88, $3  }
0x1: {  	(tag) =	ssettag $0x0;
	lr =	simm.s32 $0x1  }
0x2: {  	[smem:$0x3F9F] =	sst lr;
	_ =	strace $0xD0000000  }
0x3: {  	_ = 	snop  }
0x4: {  	_ = 	snop  }
0x5: {  	_ = 	snop  }
0x6: {  	_ = 	snop  }
0x7: {  	_ = 	snop  }
__scs_overlays_trampoline_lowered:
0x8: {  	[smem:$0x3FAE] =	sst s0  }
0x9: {  	[smem:$0x3FAF] =	sst s1  }
0xa: {  	[smem:$0x3FB0] =	sst s2  }
0xb: {  	[smem:$0x3FB1] =	sst s3  }
0xc: {  	[smem:$0x3FB2] =	sst s4  }
0xd: {  	[smem:$0x3FB3] =	sst s5  }
0xe: {  	[smem:$0x3FB4] =	sst s6  }
0xf: {  	[smem:$0x3FB5] =	sst s7  }
0x10: {  	[smem:$0x3FB6] =	sst s8  }
0x11: {  	[smem:$0x3FB7] =	sst s9;
	s0 =	simm.s32 @!p0 $0x0  }
0x12: {  	s1 =	sld [smem:$0x3F9D];
	s0 =	simm.s32 @p0 $0x1  }
0x13: {  	[smem:$0x3FB8] =	sst s0;
	s0 =	simm.s32 @!p1 $0x0  }
0x14: {  	s2 =	sld [smem:$0x3F9C];
	s0 =	simm.s32 @p1 $0x1  }
0x15: {  	[smem:$0x3FB9] =	sst s0;
	s0 =	simm.s32 @!p2 $0x0  }
0x16: {  	s3 =	sld [smem:$0x3FDB];
	s0 =	simm.s32 @p2 $0x1  }
0x17: {  	s4 =	simm.s32 $0x1BF5;
	[smem:$0x3FBB] =	sst s0  }
0x18: {  	s0 =	sld [smem:$0x3F9E];
	_ =	swait.ge [sflag:s4], $0x0  }
0x19: {  	s7 =	sld [smem:$0x3F9F]  }
0x1a: {  	s8 =	sadd.s32 $0xFFFFE003, lr  }
0x1b: {  	s9 =	sadd.s32 $0xFFFFFEF7, lr;
	s5 =	simm.s32 $0xFFFFFFFF;
	p2 =	slt.u32 s8, $0xFFFFF086  }
0x1c: {  	p1 =	slt.u32 s9, $0xF7A;
	s5 =	simm.s32 @!p2 $0x0  }
0x1d: {  	s5 =	simm.s32 @p1 $0x1;
	p0 =	seq.s32 s7, s2  }
0x1e: {  	s7 =	smul.u32 @!p0 $0xF7A, s2;
	p2 =	seq.s32 @!p0 s5, $0x0  }
0x1f: {  	s9 =	smul.u32 $0xF7A, s1;
	s8 =	simm.s32 @!p0 $0x1BF5;
	p2 =	por !p2, p0  }
0x20: {  	[sflag:s8] =	ssyncset.s32 @!p0 $0xFFFFF086;
	s6 =	sadd.s32 @!p0 s3, s7;
	s7 =	simm.s32 @!p0 $0x108  }
0x21: {  	s3 =	sadd.s32 s3, s9;
	s6 =	sadd.s32 @!p0 $0x88, s6;
	s7 =	simm.s32 @p2 $0x1082  }
0x22: {  	[simem:s7], [sflag:s8] =	dma.local @!p0 [hbm:s6], $0xF7A  }
0x23: {  	s9 =	sor.u32 $0xD0000000, s2;
	s6 =	simm.s32 $0x108;
	_ =	swait.ge @!p0 [sflag:s8], $0x0  }
0x24: {  	s3 =	sadd.s32 $0x88, s3;
	s6 =	simm.s32 @!p1 $0x1082;
	[sflag:s4] =	ssyncset.s32 $0xFFFFF086  }
0x25: {  	[simem:s6], [sflag:s4] =	dma.local [hbm:s3], $0xF7A  }
0x26: {  	[smem:$0x3F9F] =	sst s1;
	(tag) =	ssettag s2;
	_ =	strace s9  }
0x27: {  	s1 =	sld [smem:$0x3FAF]  }
0x28: {  	s2 =	sld [smem:$0x3FB0]  }
0x29: {  	s4 =	sld [smem:$0x3FB2]  }
0x2a: {  	p0 =	seq.s32 s5, $0x0;
	s5 =	sld [smem:$0x3FB3]  }
0x2b: {  	s6 =	sld [smem:$0x3FB4]  }
0x2c: {  	s7 =	sld [smem:$0x3FB5]  }
0x2d: {  	s3 =	simm.s32 $0x108;
	s8 =	sld [smem:$0x3FB6]  }
0x2e: {  	s3 =	simm.s32 @!p0 $0x1082;
	s9 =	sld [smem:$0x3FB7]  }
0x2f: {  	lr =	sadd.s32 s0, s3;
	s0 =	sld [smem:$0x3FAE]  }
0x30: {  	s3 =	sld [smem:$0x3FB1]  }
0x31: {  	[smem:$0x3FBA] =	sst s10  }
0x32: {  	s10 =	sld [smem:$0x3FB8];
	_ =	sdelay $0x3  }
0x33: {  	p0 =	seq.s32 s10, $0x1;
	s10 =	sld [smem:$0x3FBA];
	_ =	sdelay $0x3  }
0x34: {  	[smem:$0x3FBA] =	sst s10  }
0x35: {  	s10 =	sld [smem:$0x3FB9];
	_ =	sdelay $0x3  }
0x36: {  	p1 =	seq.s32 s10, $0x1;
	s10 =	sld [smem:$0x3FBA];
	_ =	sdelay $0x3  }
0x37: {  	[smem:$0x3FBA] =	sst s10  }
0x38: {  	s10 =	sld [smem:$0x3FBB]  }
0x39: {  	_ = 	snop;
	(pc) =	sbr.ind lr, $3  }
0x3a: {  	_ = 	snop  }
0x3b: {  	_ = 	snop  }
0x3c: {  	p2 =	seq.s32 s10, $0x1;
	s10 =	sld [smem:$0x3FBA]  }
0x3d: {  	_ =	shalt  }
0x3e: {  	_ =	shalt  }
0x3f: {  	_ =	shalt  }
0x40: {  	_ =	shalt  }
0x41: {  	_ =	shalt  }
0x42: {  	_ =	shalt  }
0x43: {  	_ =	shalt  }
0x44: {  	_ =	shalt  }
0x45: {  	_ =	shalt  }
0x46: {  	_ =	shalt  }
0x47: {  	_ =	shalt  }
0x48: {  	_ =	shalt  }
0x49: {  	_ =	shalt  }
0x4a: {  	_ =	shalt  }
0x4b: {  	_ =	shalt  }
0x4c: {  	_ =	shalt  }
0x4d: {  	_ =	shalt  }
0x4e: {  	_ =	shalt  }
0x4f: {  	_ =	shalt  }
0x50: {  	_ =	shalt  }
0x51: {  	_ =	shalt  }
0x52: {  	_ =	shalt  }
0x53: {  	_ =	shalt  }
0x54: {  	_ =	shalt  }
0x55: {  	_ =	shalt  }
0x56: {  	_ =	shalt  }
0x57: {  	_ =	shalt  }
0x58: {  	_ =	shalt  }
0x59: {  	_ =	shalt  }
0x5a: {  	_ =	shalt  }
0x5b: {  	_ =	shalt  }
0x5c: {  	_ =	shalt  }
0x5d: {  	_ =	shalt  }
0x5e: {  	_ =	shalt  }
0x5f: {  	_ =	shalt  }
0x60: {  	_ =	shalt  }
0x61: {  	_ =	shalt  }
0x62: {  	_ =	shalt  }
0x63: {  	_ =	shalt  }
0x64: {  	_ =	shalt  }
0x65: {  	_ =	shalt  }
0x66: {  	_ =	shalt  }
0x67: {  	_ =	shalt  }
0x68: {  	_ =	shalt  }
0x69: {  	_ =	shalt  }
0x6a: {  	_ =	shalt  }
0x6b: {  	_ =	shalt  }
0x6c: {  	_ =	shalt  }
0x6d: {  	_ =	shalt  }
0x6e: {  	_ =	shalt  }
0x6f: {  	_ =	shalt  }
0x70: {  	_ =	shalt  }
0x71: {  	_ =	shalt  }
0x72: {  	_ =	shalt  }
0x73: {  	_ =	shalt  }
0x74: {  	_ =	shalt  }
0x75: {  	_ =	shalt  }
0x76: {  	_ =	shalt  }
0x77: {  	_ =	shalt  }
0x78: {  	_ =	shalt  }
0x79: {  	_ =	shalt  }
0x7a: {  	_ =	shalt  }
0x7b: {  	_ =	shalt  }
0x7c: {  	_ =	shalt  }
0x7d: {  	_ =	shalt  }
0x7e: {  	_ =	shalt  }
0x7f: {  	_ =	shalt  }
0x80: {  	_ =	shalt  }
0x81: {  	_ =	shalt  }
0x82: {  	_ =	shalt  }
0x83: {  	_ =	shalt  }
0x84: {  	_ =	shalt  }
0x85: {  	_ =	shalt  }
0x86: {  	_ =	shalt  }
0x87: {  	_ =	shalt  }
.Lfunc_end0:
.L_simem_size_0:
called_computation_lowered:
.L_overlay_start_0:
0x88: {  	s2 =	sld [smem:$0x3FD9]  }
0x89: {  	s3 =	sld [smem:$0x3FFE];
	_ =	sdelay $0x1  }
0x8a: {  	s1 =	srdreg.scid  }
0x8b: {  	s0 =	sand.u32 $0x1, s1  }
0x8c: {  	s14 =	sshll.u32 s0, $0xA;
	s2 =	sadd.s32 s3, s2  }
0x8d: {  	s2 =	sadd.s32 s2, s14  }
0x8e: {  	[smem:$0x3FC6] =	sst s2  }
0x8f: {  	_ = 	snop  }
0x90: {  	s2 =	sld [smem:$0x3FD0];
	_ =	sdelay $0x2  }
0x91: {  	s15 =	simm.s32 $0xA;
	s4 =	simm.s32 $0x10  }
0x92: {  	[smem:s4], [sflag:s15] =	dma.local [hbm:s2], $0x1  }
0x93: {  	_ =	swait.eq [sflag:s15], $0x1  }
0x94: {  	[sflag:s15] =	ssyncset.done $0x0  }
0x95: {  	[sflag:s15] =	ssyncadd.s32 $0xFFFFFFFF  }
0x96: {  	s16 =	sld [smem:$0x10];
	(tm) =	ssettm $0x1  }
0x97: {  	s17 =	sld [smem:$0x3FFB];
	_ =	sdelay $0x3  }
0x98: {  	_ =	strace s17  }
0x99: {  	s3 =	sld [smem:$0x3FFC];
	_ =	sdelay $0x3  }
0x9a: {  	_ =	strace s3  }
0x9b: {  	s3 =	sld [smem:$0x3FFD];
	_ =	sdelay $0x3  }
0x9c: {  	_ =	strace s3  }
0x9d: {  	_ =	strace $0x8FFFFFFF  }
0x9e: {  	s18 =	sld [smem:$0x3FDB];
	_ =	sdelay $0x1  }
0x9f: {  	s19 =	simm.s32 $_scs_section_size  }
0xa0: {  	s5 =	simm.s32 $_size__tile_overlayer_lowered;
	s6 =	simm.s32 $_tile_overlayer_lowered  }
0xa1: {  	s22 =	simm.s32 $0x1BFF;
	s21 =	sshll.u32 s6, $0x1;
	s3 =	sadd.s32 s19, s18  }
0xa2: {  	s7 =	simm.s32 $0x0;
	s20 =	sshll.u32 s5, $0x1;
	s5 =	sadd.s32 s21, s3  }
0xa3: {  	[timem:s7], [sflag:s22] =	dma.local [hbm:s5], s20  }
0xa4: {  	_ =	swait.ge [sflag:s22], s20  }
0xa5: {  	s4 =	ssub.s32 $0x0, s20;
	[sflag:s22] =	ssyncset.done $0x0  }
0xa6: {  	[sflag:s22] =	ssyncadd.s32 s4;
	_ =	sdelay $0x1  }
0xa7: {  	s23 =	simm.s32 $0x1B8B  }
0xa8: {  	_ =	swait.ge [sflag:s23], $0x1  }
0xa9: {  	[sflag:s23] =	ssyncset.done $0x0  }
0xaa: {  	s25 =	simm.s32 $0x1B8E;
	s24 =	sld [smem:$0x3FFE];
	[sflag:s23] =	ssyncadd.s32 $0xFFFFFFFF  }
0xab: {  	s26 =	simm.s32 $execute0_lowered;
	[smem:$0x3FD2] =	sst s25  }
0xac: {  	s5 =	sshll.u32 s26, $0x1;
	_ =	strace $0x80000046;
	[dreg:$0x1] =	wrdreg $0xFFFFFFFF  }
0xad: {  	s28 =	simm.s32 $_size_execute0_lowered;
	s3 =	sadd.s32 s3, s5;
	[dreg:$0x0] =	wrdreg $0x0  }
0xae: {  	s5 =	sshll.u32 s28, $0x1;
	[dreg:$0x2] =	wrdreg s3  }
0xaf: {  	[dreg:$0x3] =	wrdreg s5  }
0xb0: {  	[dreg:$0x4] =	wrdreg $0xC0  }
0xb1: {  	_ =	task [dreg:s7], $0x5FFFF  }
0xb2: {  	[dreg:$0x1] =	wrdreg $0xFFFFFFFF  }
0xb3: {  	[dreg:$0x0] =	wrdreg $0x60  }
0xb4: {  	[dreg:$0x2] =	wrdreg s24  }
0xb5: {  	[dreg:$0x3] =	wrdreg s16  }
0xb6: {  	[dreg:$0x4] =	wrdreg $0x9  }
0xb7: {  	_ =	task.clear_ibuf [dreg:s7], $0x5FFFF;
	_ =	strace $0x90000046  }
0xb8: {  	s29 =	simm.s32 $0x9;
	_ =	strace $0x80000048  }
0xb9: {  	_ =	swait.ge [sflag:s29], $0x1  }
0xba: {  	[sflag:s29] =	ssyncadd.s32 $0xFFFFFFFF  }
0xbb: {  	_ =	strace $0x90000048  }
0xbc: {  	_ =	sfence  }
0xbd: {  	s30 =	sld [smem:$0x0];
	_ =	sdelay $0x2  }
0xbe: {  	s31 =	sshll.u32 s1, $0xD;
	s1 =	sshrl.u32 s1, $0x2  }
0xbf: {  	s3 =	sand.u32 $0x4000, s31;
	s1 =	sadd.s32 s1, s30  }
0xc0: {  	s0 =	sor.u32 s3, s0;
	s1 =	sshll.u32 s1, $0x11  }
0xc1: {  	s0 =	sor.u32 s1, s0  }
0xc2: {  	s0 =	sadd.s32 $0x8F2B, s0  }
0xc3: {  	[sflag:s0] =	ssyncadd.remote.s32 $0x1  }
0xc4: {  	_ =	sfence.sel $0xFFFF  }
0xc5: {  	[dreg:$0x0] =	wrdreg $0xFFFFFFFF;
	(pc) =	sbr.abs _section_cstart, $3  }
0xc6: {  	[dreg:$0x1] =	wrdreg $0xFFFFFFFF  }
0xc7: {  	_ =	task.clear_ibuf [dreg:s7], $0x2FFFF;
	_ =	strace $0x9FFFFFFF  }
0xc8: {  	(tm) =	ssettm $0x7FFFFFFF  }
0xc9: {  	_ =	shalt  }
tec
execute0_lowered:
.L_overlay_start_1:
0x0: {  	(tag) =	ssettag $0x1  }
0x1: {  	s4 =	rddreg [dreg:$0x0];
	s1 =	srdreg.scid  }
0x2: {  	s0 =	stileid.u32;
	s2 =	rddreg [dreg:$0x1]  }
0x3: {  	s3 =	simm.s32 $0x0;
	s10 =	simm.s32 $0x2100;
	s11 =	simm.s32 $0x80  }
0x4: {  	s12 =	simm.s32 $0x100;
	s13 =	simm.s32 $0x1100;
	s14 =	simm.s32 $0x2  }
0x5: {  	s15 =	simm.s32 $0x1;
	s16 =	simm.s32 $0x4100;
	s17 =	simm.s32 $0x6100  }
0x6: {  	s5 =	sand.u32 $0x1, s1;
	s6 =	sshll.u32 s0, $0x1;
	s1 =	rddreg [dreg:$0x2]  }
0x7: {  	s18 =	simm.s32 $0x0;
	[smem:$0x7FF] =	sst s3;
	s6 =	sor.u32 s5, s6  }
0x8: {  	_ =	strace $0x80000047;
	s5 =	ssub.s32 $0x2, s5;
	s7 =	sshll.u32 s6, $0x5  }
0x9: {  	s8 =	sshll.u32 s6, $0x1;
	s6 =	sshll.u32 s6, $0xA;
	s9 =	sshrl.u32 s5, $0x1  }
0xa: {  	s7 =	sadd.s32 s7, s4;
	s8 =	sadd.s32 s8, s4;
	s4 =	sadd.s32 s4, s6  }
0xb: {  	s9 =	ssub.s32 s5, s9;
	s5 =	sadd.s32 $0x8000, s7;
	s6 =	sadd.s32 $0x8400, s4  }
0xc: {  	s7 =	sadd.s32 $0x10400, s8;
	s8 =	smax.u32 s9, $0x1;
	s9 =	simm.s32 $0x3  }
.LBB2_1:
0xd: {  	[tilespmem:s3], [sflag:$0x3] =	stream.linear.gather [hbm4b:s5+s3], $0x100, $0x38;
	[tilespmem:$0x6110] =	vst v63  }
0xe: {  	_ =	swait.ge [sflag:s9], $0x100  }
0xf: {  	[sflag:s9] =	ssyncset.done $0x0  }
0x10: {  	[sflag:s9] =	ssyncadd.s32 $0xFFFFFF00  }
0x11: {  	[tilespmem:s10], [sflag:$0x2] =	stream.linear.gather [hbm4b:s4+s3], $0x2000, $0x38;
	[tilespmem:$0x6110] =	vst v63  }
0x12: {  	_ = 	snop  }
0x13: {  	[tilespmem:s12], [sflag:$0x1] =	stream.indirect.gather [hbm4b:s2+s11], $0x20, s3, s11, $0xb8;
	[tilespmem:$0x6110] =	vst v63  }
0x14: {  	_ = 	snop  }
0x15: {  	[tilespmem:s13], [sflag:$0x1] =	stream.indirect.gather [hbm4b:s2+s11], $0x20, s11, s11, $0xb8;
	[tilespmem:$0x6110] =	vst v63  }
0x16: {  	_ =	swait.ge [sflag:s14], $0x2000  }
0x17: {  	[sflag:s14] =	ssyncset.done $0x0  }
0x18: {  	[sflag:s14] =	ssyncadd.s32 $0xFFFFE000  }
0x19: {  	_ =	swait.ge [sflag:s15], $0x1000  }
0x1a: {  	[sflag:s15] =	ssyncset.done $0x0  }
0x1b: {  	[sflag:s15] =	ssyncadd.s32 $0xFFFFF000  }
0x1c: {  	_ =	swait.ge [sflag:s15], $0x1000  }
0x1d: {  	[sflag:s15] =	ssyncset.done $0x0  }
0x1e: {  	s20 =	simm.s32 $0x0;
	[sflag:s15] =	ssyncadd.s32 $0xFFFFF000  }
0x1f: {  	v0 =	vld [tilespmem:s20+$0x100]  }
0x20: {  	v1 =	vld [tilespmem:s20+$0x2100]  }
0x21: {  	v2 =	vld [tilespmem:s20+$0x110]  }
0x22: {  	v4 =	vld [tilespmem:s20+$0x2110]  }
0x23: {  	v5 =	vld [tilespmem:s20+$0x1100]  }
0x24: {  	v6 =	vld [tilespmem:s20+$0x3100]  }
0x25: {  	v7 =	vld [tilespmem:s20+$0x1110];
	v0 =	vsub.f32 v0, v1  }
0x26: {  	s19 =	simm.s32 $0x20;
	v8 =	vld [tilespmem:s20+$0x3110]  }
0x27: {  	v9 =	vld [tilespmem:s19+$0x100];
	v12 =	vsub.f32 v2, v4;
	v10 =	vmul.f32 v0, v0  }
0x28: {  	v3 =	vld [tilespmem:s19+$0x2100];
	v0 =	vadd.f32 v0, v1;
	v1 =	vimm.f32 $0.0e+00  }
0x29: {  	v11 =	vld [tilespmem:s19+$0x110];
	v5 =	vsub.f32 v5, v6;
	v1 =	vadd.f32 v10, v1;
	v10 =	vmul.f32 v12, v12  }
0x2a: {  	v2 =	vld [tilespmem:s19+$0x2110];
	[tilespmem:s20+$0x4100] =	vst v0;
	v12 =	vadd.f32 v12, v4  }
0x2b: {  	v13 =	vsub.f32 v7, v8;
	v4 =	vld [tilespmem:s19+$0x1100];
	v1 =	vadd.f32 v10, v1;
	v10 =	vmul.f32 v5, v5  }
0x2c: {  	v6 =	vadd.f32 v5, v6;
	v0 =	vld [tilespmem:s19+$0x3100];
	[tilespmem:s20+$0x4110] =	vst v12  }
0x2d: {  	v7 =	vsub.f32 v9, v3;
	v14 =	vmul.f32 v13, v13;
	v5 =	vld [tilespmem:s19+$0x1110];
	v63 =	vadd.f32 v10, v1  }
0x2e: {  	s21 =	simm.s32 $0x40;
	v1 =	vld [tilespmem:s19+$0x3110];
	[tilespmem:s20+$0x5100] =	vst v6;
	v10 =	vadd.f32 v13, v8  }
0x2f: {  	s22 =	simm.s32 $0x180;
	v9 =	vmul.f32 v7, v7;
	v8 =	vsub.f32 v11, v2;
	v6 =	vld [tilespmem:s21+$0x100];
	v11 =	vadd.f32 v14, v63  }
.LBB2_2:
0x30: {  	p0 =	sne.s32 s22, $0x3F80;
	v7 =	vadd.f32 v7, v3;
	v3 =	vld [tilespmem:s21+$0x2100];
	[tilespmem:s20+$0x5110] =	vst v10;
	s20 =	smov.u32 s19;
	s19 =	smov.u32 s21  }
0x31: {  	v12 =	vld [tilespmem:s19+$0x110];
	v9 =	vadd.f32 v9, v11;
	v10 =	vmul.f32 v8, v8;
	v11 =	vsub.f32 v4, v0  }
0x32: {  	[tilespmem:s20+$0x4100] =	vst v7;
	v7 =	vadd.f32 v8, v2;
	v2 =	vld [tilespmem:s19+$0x2110]  }
.Ltmp0:
0x33: {  	v4 =	vld [tilespmem:s19+$0x1100];
	v8 =	vadd.f32 v10, v9;
	v9 =	vmul.f32 v11, v11;
	v10 =	vsub.f32 v5, v1;
	(pc) =	sbr.rel @p0 .LBB2_2-.Ltmp0, $4  }
0x34: {  	v11 =	vadd.f32 v11, v0;
	[tilespmem:s20+$0x4110] =	vst v7;
	v0 =	vld [tilespmem:s19+$0x3100]  }
0x35: {  	v7 =	vsub.f32 v6, v3;
	v5 =	vld [tilespmem:s19+$0x1110];
	v13 =	vadd.f32 v9, v8;
	v14 =	vmul.f32 v10, v10  }
0x36: {  	s21 =	sshra.s32 s22, $0x2;
	v10 =	vadd.f32 v10, v1;
	[tilespmem:s20+$0x5100] =	vst v11;
	v1 =	vld [tilespmem:s19+$0x3110]  }
0x37: {  	s22 =	sadd.s32 $0x80, s22;
	v6 =	vld [tilespmem:s21+$0x100];
	v9 =	vmul.f32 v7, v7;
	v8 =	vsub.f32 v12, v2;
	v11 =	vadd.f32 v14, v13  }
0x38: {  	v12 =	vld [tilespmem:s21+$0x2100];
	[tilespmem:s20+$0x5110] =	vst v10;
	v3 =	vadd.f32 v7, v3  }
0x39: {  	v46 =	vld [tilespmem:s21+$0x110];
	v9 =	vadd.f32 v9, v11;
	v47 =	vmul.f32 v8, v8;
	v4 =	vsub.f32 v4, v0  }
0x3a: {  	v10 =	vld [tilespmem:s21+$0x2110];
	v2 =	vadd.f32 v8, v2;
	[tilespmem:s19+$0x4100] =	vst v3  }
0x3b: {  	v3 =	vld [tilespmem:s21+$0x1100];
	v48 =	vadd.f32 v47, v9;
	v49 =	vmul.f32 v4, v4;
	v5 =	vsub.f32 v5, v1  }
0x3c: {  	v50 =	vld [tilespmem:s21+$0x3100];
	[tilespmem:s19+$0x4110] =	vst v2  }
0x3d: {  	v52 =	vld [tilespmem:s21+$0x1110];
	v51 =	vsub.f32 v6, v12;
	v8 =	vadd.f32 v49, v48;
	v53 =	vmul.f32 v5, v5  }
0x3e: {  	v13 =	vld [tilespmem:s21+$0x3110]  }
0x3f: {  	v7 =	vsub.f32 v46, v10;
	v8 =	vadd.f32 v53, v8;
	v54 =	vmul.f32 v51, v51  }
0x40: {  	v0 =	vadd.f32 v4, v0  }
0x41: {  	v56 =	vmul.f32 v7, v7;
	v3 =	vsub.f32 v3, v50;
	v55 =	vadd.f32 v54, v8  }
0x42: {  	v1 =	vadd.f32 v5, v1;
	v2 =	vadd.f32 v51, v12  }
0x43: {  	[tilespmem:s19+$0x5100] =	vst v0;
	v59 =	vsub.f32 v52, v13;
	v58 =	vmul.f32 v3, v3;
	v57 =	vadd.f32 v56, v55  }
0x44: {  	[tilespmem:s19+$0x5110] =	vst v1;
	v60 =	vadd.f32 v7, v10  }
0x45: {  	[tilespmem:s21+$0x4100] =	vst v2;
	v61 =	vadd.f32 v3, v50;
	v62 =	vmul.f32 v59, v59;
	v0 =	vadd.f32 v58, v57  }
0x46: {  	[tilespmem:s21+$0x4110] =	vst v60;
	v63 =	vadd.f32 v59, v13  }
0x47: {  	[tilespmem:s21+$0x5100] =	vst v61;
	v0 =	vadd.f32 v62, v0  }
0x48: {  	[tilespmem:s21+$0x5110] =	vst v63  }
0x49: {  	[tilespmem:$0x6100] =	vst v0  }
0x4a: {  	[hbm4b:s6+s3] =	stream.linear.scatter [tilespmem:s16], [sflag:$0x3], $0x2000, $0x38;
	[tilespmem:$0x6110] =	vst v63  }
0x4b: {  	s18 =	sadd.s32 $0x1, s18;
	_ =	swait.ge [sflag:s9], $0x2000  }
0x4c: {  	p0 =	sne.s32 s18, s8;
	[sflag:s9] =	ssyncset.done $0x0  }
.Ltmp1:
0x4d: {  	[sflag:s9] =	ssyncadd.s32 $0xFFFFE000;
	(pc) =	sbr.rel @p0 .LBB2_1-.Ltmp1, $4  }
0x4e: {  	[hbm4b:s7+s3] =	stream.linear.scatter [tilespmem:s17], [sflag:$0x3], $0x10, $0x38;
	[tilespmem:$0x6110] =	vst v63  }
0x4f: {  	_ =	swait.ge [sflag:s9], $0x10  }
0x50: {  	[sflag:s9] =	ssyncset.done $0x0  }
0x51: {  	[sflag:s9] =	ssyncadd.s32 $0xFFFFFFF0  }
0x52: {  	_ =	sfence.sel $0x180000  }
0x53: {  	[bflag:$0x0] =	sbarrier.arrive $0xFFFF  }
0x54: {  	p0 =	sne.s32 s0, $0x0;
	_ =	strace $0x90000047  }
0x55: {  	s0 =	sadd.s32 @!p0 $0x100000, s1;
	[bflag:$0x2] =	sbarrier.arrive $0xFFFF  }
0x56: {  	[sflag:s0] =	ssyncadd.tile.s32 @!p0 $0x1;
	_ =	shalt  }
.Lfunc_end2:
_tile_overlayer_lowered:
.L_overlay_start_2:
0x57: {  	(tag) =	ssettag $0x2  }
0x58: {  	s0 =	rddreg [dreg:$0x0];
	s2 =	stileid.u32  }
0x59: {  	s1 =	rddreg [dreg:$0x1];
	p0 =	sne.s32 s2, $0x0  }
0x5a: {  	s3 =	rddreg [dreg:$0x2];
	[bflag:$0x3] =	sbarrier.arrive $0xFFFF;
	s2 =	simm.s32 @!p0 $0x1C03  }
0x5b: {  	[timem:s3], [sflag:s2] =	dma.local @!p0 [hbm:s0], s1  }
0x5c: {  	s0 =	simm.s32 @!p0 $0x3  }
0x5d: {  	_ =	swait.ge @!p0 [sflag:s0], s1  }
0x5e: {  	s1 =	ssub.s32 @!p0 $0x0, s1;
	[sflag:s0] =	ssyncset.done @!p0 $0x0  }
0x5f: {  	[sflag:s0] =	ssyncadd.s32 @!p0 s1  }
0x60: {  	[bflag:$0x3] =	sbarrier.arrive $0xFFFF  }
0x61: {  	_ =	shalt  }

</sc_bundles>
